<compile_context>
chip_gen: v7x
topology: tpu7x:2x2x1
jax: 0.10.2.dev20260603
libtpu: 0.0.44.dev20260713+nightly
codegen_flags: <defaults>
</compile_context>

<pallas_src>
import jax
import jax.numpy as jnp
from jax.experimental import pallas as pl

_BT = 1024


def _concat_kernel(k_ref, v_ref, o_ref):
    d = k_ref.shape[0]
    o_ref[0:d, :] = k_ref[...]
    o_ref[d : 2 * d, :] = v_ref[...]


def kernel(key_cache, value_cache, new_key, new_value, slot_mapping):
    del key_cache, value_cache, slot_mapping
    n, h, d = new_key.shape
    kt = jnp.transpose(new_key, (1, 2, 0)).reshape(h * d, n)
    vt = jnp.transpose(new_value, (1, 2, 0)).reshape(h * d, n)
    out2 = pl.pallas_call(
        _concat_kernel,
        grid=(h, n // _BT),
        in_specs=[
            pl.BlockSpec((d, _BT), lambda i, j: (i, j)),
            pl.BlockSpec((d, _BT), lambda i, j: (i, j)),
        ],
        out_specs=pl.BlockSpec((2 * d, _BT), lambda i, j: (i, j)),
        out_shape=jax.ShapeDtypeStruct((h * 2 * d, n), new_key.dtype),
    )(kt, vt)
    return jnp.transpose(out2.reshape(h, 2 * d, n), (2, 0, 1))

# --- scband reference (transcript-rebuilt; emitter-appended) ---
"""Pipeline reference for scband-paged-attention-generation-model-60790967108079 (READ-ONLY COPY).

The authoritative reference and input builder live on the scoring server;
editing this copy changes nothing except your own understanding.
"""

import jax, jax.numpy as jnp
import numpy as np

TOTAL_SLOTS = 65536   # 512 blocks * 128 block_size
NUM_TOKENS = 32768    # 32 seqs * 1024 prefill tokens
H = 8                 # num_kv_heads
D = 64                # head_dim


def setup_inputs(seed: int = 0) -> dict:
    key = jax.random.key(seed)
    k1, k2, k3, k4, k5 = jax.random.split(key, 5)
    key_cache = jax.random.normal(k1, (TOTAL_SLOTS, H, D), dtype=jnp.float32)
    value_cache = jax.random.normal(k2, (TOTAL_SLOTS, H, D), dtype=jnp.float32)
    new_key = jax.random.normal(k3, (NUM_TOKENS, H, D), dtype=jnp.float32)
    new_value = jax.random.normal(k4, (NUM_TOKENS, H, D), dtype=jnp.float32)
    # slot_mapping: unique slot ids (each physical cache slot is written at most once
    # per step, as guaranteed by the block allocator). Random permutation models the
    # scattered block layout produced by _allocate_blocks + _build_slot_mapping.
    slot_mapping = jax.random.permutation(k5, TOTAL_SLOTS)[:NUM_TOKENS].astype(jnp.int64)
    return {
        "key_cache": key_cache,
        "value_cache": value_cache,
        "new_key": new_key,
        "new_value": new_value,
        "slot_mapping": slot_mapping,
    }


def reference(key_cache, value_cache, new_key, new_value, slot_mapping):
    # Core paged-attention cache update: scatter-overwrite freshly computed K/V
    # for this step's tokens into the paged KV cache at positions given by
    # slot_mapping (slot = block_table[block] * block_size + offset).
    kc = key_cache.at[slot_mapping].set(new_key)
    vc = value_cache.at[slot_mapping].set(new_value)
    # Readback gather (what the attention kernel consumes for these tokens):
    k_rb = jnp.take(kc, slot_mapping, axis=0)
    v_rb = jnp.take(vc, slot_mapping, axis=0)
    return jnp.concatenate([k_rb, v_rb], axis=-1)

if __name__ == "__main__":
    import jax
    _d = setup_inputs()
    print(jax.jit(kernel)(*tuple(_d.values())))

</pallas_src>

<mosaic_0001>
module attributes {stable_mosaic.version = 14 : i64} {
  func.func @_concat_kernel(%arg0: i32, %arg1: i32, %arg2: memref<64x1024xf32, #tpu.memory_space<vmem>>, %arg3: memref<64x1024xf32, #tpu.memory_space<vmem>>, %arg4: memref<128x1024xf32, #tpu.memory_space<vmem>>) attributes {dimension_semantics = [#tpu.dimension_semantics<arbitrary>, #tpu.dimension_semantics<arbitrary>], iteration_bounds = array<i64: 8, 32>, scalar_prefetch = 0 : i64, scratch_operands = 0 : i64, tpu.core_type = #tpu.core_type<tc>, window_params = [{transform_indices = @transform_0, window_bounds = array<i64: 64, 1024>}, {transform_indices = @transform_1, window_bounds = array<i64: 64, 1024>}, {transform_indices = @transform_2, window_bounds = array<i64: 128, 1024>}]} {
    %get3A = arith.constant 0 : index
    %get3A_0 = arith.constant 0 : index
    %get3A_1 = vector.load %arg2[%get3A, %get3A_0] : memref<64x1024xf32, #tpu.memory_space<vmem>>, vector<64x1024xf32>
    %swap3A = arith.constant 0 : index
    %swap3A_2 = arith.constant 0 : index
    %swap3A_3 = vector.load %arg4[%swap3A, %swap3A_2] : memref<128x1024xf32, #tpu.memory_space<vmem>>, vector<64x1024xf32>
    tpu.vector_store %arg4[%swap3A, %swap3A_2], %get3A_1 {strides = array<i32>} : memref<128x1024xf32, #tpu.memory_space<vmem>>, vector<64x1024xf32>,
    %get3A_4 = arith.constant 0 : index
    %get3A_5 = arith.constant 0 : index
    %get3A_6 = vector.load %arg3[%get3A_4, %get3A_5] : memref<64x1024xf32, #tpu.memory_space<vmem>>, vector<64x1024xf32>
    %swap3A_7 = arith.constant 64 : index
    %swap3A_8 = arith.constant 0 : index
    %swap3A_9 = vector.load %arg4[%swap3A_7, %swap3A_8] : memref<128x1024xf32, #tpu.memory_space<vmem>>, vector<64x1024xf32>
    tpu.vector_store %arg4[%swap3A_7, %swap3A_8], %get3A_6 {strides = array<i32>} : memref<128x1024xf32, #tpu.memory_space<vmem>>, vector<64x1024xf32>,
    return
  }
  func.func @transform_0(%arg0: i32, %arg1: i32) -> (i32, i32) {
    %c0_i32 = arith.constant 0 : i32
    return %arg0, %arg1 : i32, i32
  }
  func.func @transform_1(%arg0: i32, %arg1: i32) -> (i32, i32) {
    %c0_i32 = arith.constant 0 : i32
    return %arg0, %arg1 : i32, i32
  }
  func.func @transform_2(%arg0: i32, %arg1: i32) -> (i32, i32) {
    %c0_i32 = arith.constant 0 : i32
    return %arg0, %arg1 : i32, i32
  }
}

</mosaic_0001>

<sc_bundles>
// kernel: sparse-core-data-format-call.cloned.1.call-start
scs
called_computation_lowered:
.L_overlay_start_0:
0x0: {  	s2 =	sld [smem:$0x3FD9]  }
0x1: {  	s3 =	sld [smem:$0x3FFE];
	_ =	sdelay $0x1  }
0x2: {  	s1 =	srdreg.scid  }
0x3: {  	s0 =	sand.u32 $0x1, s1  }
0x4: {  	s18 =	sshll.u32 s0, $0xA;
	s2 =	sadd.s32 s3, s2  }
0x5: {  	s2 =	sadd.s32 s2, s18  }
0x6: {  	[smem:$0x3FC6] =	sst s2  }
0x7: {  	_ = 	snop  }
0x8: {  	s2 =	sld [smem:$0x3FD0];
	(tm) =	ssettm $0x1  }
0x9: {  	s19 =	sld [smem:$0x3FFB];
	_ =	sdelay $0x3  }
0xa: {  	_ =	strace s19  }
0xb: {  	s3 =	sld [smem:$0x3FFC];
	_ =	sdelay $0x3  }
0xc: {  	_ =	strace s3  }
0xd: {  	s3 =	sld [smem:$0x3FFD];
	_ =	sdelay $0x3  }
0xe: {  	_ =	strace s3  }
0xf: {  	_ =	strace $0x8FFFFFFF  }
0x10: {  	s20 =	sld [smem:$0x3FDB];
	_ =	sdelay $0x1  }
0x11: {  	s4 =	simm.s32 $_scs_section_size  }
0x12: {  	s5 =	simm.s32 $_size__tile_overlayer_lowered;
	s6 =	simm.s32 $_tile_overlayer_lowered  }
0x13: {  	s23 =	simm.s32 $0x1BFF;
	s22 =	sshll.u32 s6, $0x1;
	s3 =	sadd.s32 s4, s20  }
0x14: {  	s7 =	simm.s32 $0x0;
	s21 =	sshll.u32 s5, $0x1;
	s5 =	sadd.s32 s22, s3  }
0x15: {  	[timem:s7], [sflag:s23] =	dma.local [hbm:s5], s21  }
0x16: {  	_ =	swait.ge [sflag:s23], s21  }
0x17: {  	s4 =	ssub.s32 $0x0, s21;
	[sflag:s23] =	ssyncset.done $0x0  }
0x18: {  	[sflag:s23] =	ssyncadd.s32 s4;
	_ =	sdelay $0x1  }
0x19: {  	s24 =	simm.s32 $0x1B8B  }
0x1a: {  	_ =	swait.ge [sflag:s24], $0x1  }
0x1b: {  	[sflag:s24] =	ssyncset.done $0x0  }
0x1c: {  	s26 =	simm.s32 $0x1B8E;
	s25 =	sld [smem:$0x3FFE];
	[sflag:s24] =	ssyncadd.s32 $0xFFFFFFFF  }
0x1d: {  	s27 =	simm.s32 $execute0_lowered;
	[smem:$0x3FD2] =	sst s26  }
0x1e: {  	s5 =	sshll.u32 s27, $0x1;
	_ =	strace $0x80000046;
	[dreg:$0x1] =	wrdreg $0xFFFFFFFF  }
0x1f: {  	s28 =	simm.s32 $_size_execute0_lowered;
	s3 =	sadd.s32 s3, s5;
	[dreg:$0x0] =	wrdreg $0x0  }
0x20: {  	s5 =	sshll.u32 s28, $0x1;
	[dreg:$0x2] =	wrdreg s3  }
0x21: {  	[dreg:$0x3] =	wrdreg s5  }
0x22: {  	[dreg:$0x4] =	wrdreg $0xC0  }
0x23: {  	_ =	task [dreg:s7], $0x5FFFF  }
0x24: {  	[dreg:$0x1] =	wrdreg $0xFFFFFFFF  }
0x25: {  	[dreg:$0x0] =	wrdreg $0x60  }
0x26: {  	[dreg:$0x2] =	wrdreg s25  }
0x27: {  	[dreg:$0x3] =	wrdreg s2  }
0x28: {  	[dreg:$0x4] =	wrdreg $0x9  }
0x29: {  	_ =	task.clear_ibuf [dreg:s7], $0x5FFFF;
	_ =	strace $0x90000046  }
0x2a: {  	s29 =	simm.s32 $0x9;
	_ =	strace $0x80000048  }
0x2b: {  	_ =	swait.ge [sflag:s29], $0x1  }
0x2c: {  	[sflag:s29] =	ssyncadd.s32 $0xFFFFFFFF  }
0x2d: {  	_ =	strace $0x90000048  }
0x2e: {  	_ =	sfence  }
0x2f: {  	s30 =	sld [smem:$0x0];
	_ =	sdelay $0x2  }
0x30: {  	s31 =	sshll.u32 s1, $0xD;
	s1 =	sshrl.u32 s1, $0x2  }
0x31: {  	s3 =	sand.u32 $0x4000, s31;
	s1 =	sadd.s32 s1, s30  }
0x32: {  	s0 =	sor.u32 s3, s0;
	s1 =	sshll.u32 s1, $0x11  }
0x33: {  	s0 =	sor.u32 s1, s0  }
0x34: {  	s0 =	sadd.s32 $0x8F2B, s0  }
0x35: {  	[sflag:s0] =	ssyncadd.remote.s32 $0x1  }
0x36: {  	_ =	sfence.sel $0xFFFF  }
0x37: {  	[dreg:$0x0] =	wrdreg $0xFFFFFFFF;
	(pc) =	sbr.abs _section_cstart, $3  }
0x38: {  	[dreg:$0x1] =	wrdreg $0xFFFFFFFF  }
0x39: {  	_ =	task.clear_ibuf [dreg:s7], $0x2FFFF;
	_ =	strace $0x9FFFFFFF  }
0x3a: {  	(tm) =	ssettm $0x7FFFFFFF  }
0x3b: {  	_ =	shalt  }
tec
execute0_lowered:
.L_overlay_start_1:
0x0: {  	(tag) =	ssettag $0x1  }
0x1: {  	s0 =	stileid.u32  }
0x2: {  	s1 =	srdreg.scid;
	s4 =	rddreg [dreg:$0x0];
	s8 =	simm.s32 $0x1  }
0x3: {  	s9 =	simm.s32 $0x2;
	s15 =	simm.s32 $0x0;
	s14 =	simm.s32 $0x0  }
0x4: {  	s16 =	simm.s32 $0x0;
	s2 =	sshll.u32 s0, $0x4;
	s1 =	sshll.u32 s1, $0x8  }
0x5: {  	s11 =	simm.s32 $0x0;
	s13 =	simm.s32 $0x0;
	s1 =	sor.u32 s2, s1  }
0x6: {  	s4 =	sadd.s32 $0x400, s4;
	s5 =	sand.u32 $0x7, s0;
	s3 =	sand.u32 $0x180, s1  }
0x7: {  	s2 =	rddreg [dreg:$0x1];
	s12 =	smov.u32 s5;
	s7 =	ssub.s32 $0x8000, s3  }
.Ltmp0:
0x8: {  	s1 =	rddreg [dreg:$0x2];
	s6 =	sand.u32 $0x180, s7;
	(pc) =	sbr.rel .LBB1_1-.Ltmp0, $4  }
0x9: {  	_ =	strace $0x80000047;
	s10 =	smov.u32 s3;
	p0 =	sne.s32 s6, $0x0  }
0xa: {  	s7 =	sshrl.u32 s7, $0x9;
	s6 =	simm.s32 $0x1;
	s8 =	simm.s32 @!p0 $0x0  }
0xb: {  	[sflag:s6] =	ssyncpa.u1 $0x0;
	p0 =	por $0x0, $0x0;
	s7 =	sadd.s32 s8, s7  }
0xc: {  	[sflag:s9] =	ssyncpa.u1 $0x0;
	s9 =	simm.s32 $0x400;
	s8 =	sadd.s32 $0x1, s7  }
.LBB1_4:
0xd: {  	v5 =	vld [tilespmem:s20+$0xFFFFFFD0];
	[tilespmem:s19+$0x2040 ss:$0x81] =	vst.msk $0xffff, v1  }
0xe: {  	v58 =	vld [tilespmem:s20+$0xFFFFFFE0];
	[tilespmem:s19+$0x2850 ss:$0x81] =	vst.msk $0xffff, v2  }
0xf: {  	s21 =	sshra.s32 s21, $0x2;
	v59 =	vld [tilespmem:s20+$0xFFFFFFF0];
	[tilespmem:s19+$0x3060 ss:$0x81] =	vst.msk $0xffff, v3  }
0x10: {  	v60 =	vld [tilespmem:s20+$0x0];
	[tilespmem:s19+$0x0 ss:$0x81] =	vst.msk $0xffff, v0;
	s18 =	sadd.s32 s21, s18  }
0x11: {  	v61 =	vld [tilespmem:s20+$0x10];
	[tilespmem:s18+$0x3870 ss:$0x81] =	vst.msk $0xffff, v4  }
0x12: {  	v62 =	vld [tilespmem:s20+$0x20];
	[tilespmem:s18+$0x810 ss:$0x81] =	vst.msk $0xffff, v5  }
0x13: {  	v63 =	vld [tilespmem:s20+$0xFFFFFFC0];
	[tilespmem:s18+$0x1020 ss:$0x81] =	vst.msk $0xffff, v58  }
0x14: {  	s16 =	sshll.u32 s16, $0x4;
	[tilespmem:s18+$0x1830 ss:$0x81] =	vst.msk $0xffff, v59  }
0x15: {  	s15 =	sshll.u32 s15, $0x7;
	s16 =	sand.u32 $0x70, s16;
	[tilespmem:s18+$0x2040 ss:$0x81] =	vst.msk $0xffff, v60  }
0x16: {  	s30 =	sshrl.u32 s14, $0x3;
	s31 =	sand.u32 $0x7, s14;
	s16 =	sadd.s32 s2, s16;
	[tilespmem:s18+$0x2850 ss:$0x81] =	vst.msk $0xffff, v61  }
0x17: {  	s19 =	sand.u32 $0xF, s30;
	s14 =	sshll.u32 s31, $0x12;
	s15 =	sadd.s32 s15, s16;
	[tilespmem:s18+$0x3060 ss:$0x81] =	vst.msk $0xffff, v62  }
0x18: {  	s14 =	sor.u32 $0x80, s14;
	s15 =	sadd.s32 s19, s15;
	[tilespmem:s18+$0x0 ss:$0x81] =	vst.msk $0xffff, v63  }
0x19: {  	[hbm4b:s15+s14] =	stream.strided.scatter [tilespmem:s17], [sflag:$0x2], $0x4000, s9, s14, $0x20;
	[tilespmem:$0x10100] =	vst v63  }
.LBB1_5:
0x1a: {  	s17 =	sadd.s32 $0x200, s10  }
0x1b: {  	s14 =	sadd.s32 $0x80, s11;
	s18 =	smov.u32 s11;
	p2 =	sgt.s32 s17, $0x7FFF  }
0x1c: {  	s18 =	smov.u32 @p2 s14  }
0x1d: {  	s20 =	smov.u32 s12;
	s14 =	sadd.s32 $0x8, s12;
	p3 =	sgt.s32 s18, $0x7F  }
0x1e: {  	s20 =	smov.u32 @p3 s14  }
0x1f: {  	s17 =	smov.u32 @p2 s3;
	p2 =	sgt.s32 s20, $0x7  }
0x20: {  	p1 =	slt.u32 s13, $0x2;
	s20 =	smov.u32 @p2 s5;
	p2 =	sne.s32 s13, s8  }
.Ltmp1:
0x21: {  	s19 =	simm.s32 @!p1 $0x2;
	(pc) =	sbr.rel @!p2 .LBB1_6-.Ltmp1, $4  }
0x22: {  	s15 =	smov.u32 s10;
	s16 =	smov.u32 s12;
	_ =	swait.ge @!p1 [sflag:s19], $0x4000  }
0x23: {  	p0 =	por !p0, !p0;
	[sflag:s19] =	ssyncset.done @!p1 $0x0;
	s10 =	smov.u32 s17  }
0x24: {  	s18 =	simm.s32 @p3 $0x0;
	s14 =	smov.u32 s11;
	[sflag:s19] =	ssyncadd.s32 @!p1 $0xFFFFC000  }
0x25: {  	s11 =	smov.u32 s18;
	s13 =	sadd.s32 $0x1, s13;
	s12 =	smov.u32 s20  }
.LBB1_1:
0x26: {  	p1 =	sge.u32 s13, s7;
	s31 =	sadd.s32 $0xFFFFFFFF, s13  }
0x27: {  	s17 =	sxor.u32 @!p1 $0xFFFFFFFF, s13;
	s18 =	sand.u32 @!p1 $0x78, s10;
	s19 =	sshll.u32 @!p1 s11, $0xF  }
0x28: {  	s20 =	sshll.u32 @!p1 s11, $0x7;
	s21 =	sshll.u32 @!p1 s10, $0x3;
	s17 =	sshll.u32 @!p1 s17, $0xE  }
0x29: {  	s19 =	sand.u32 @!p1 $0x3C0000, s19;
	s20 =	sand.u32 @!p1 $0x380, s20;
	s17 =	sand.u32 @!p1 $0x4000, s17  }
0x2a: {  	s19 =	sadd.s32 @!p1 s19, s21;
	s21 =	sand.u32 @!p1 $0x7C00, s21;
	s18 =	sor.u32 @!p1 s20, s18  }
0x2b: {  	s20 =	sshll.u32 @!p1 s12, $0x13;
	s18 =	sor.u32 @!p1 s21, s18;
	s19 =	sshrl.u32 @!p1 s19, $0x3  }
0x2c: {  	s20 =	sadd.s32 @!p1 s4, s20;
	s21 =	sand.u32 @!p1 $0x7, s10;
	s19 =	sand.u32 @!p1 $0x7F000, s19  }
0x2d: {  	s18 =	sshrl.u32 @!p1 s18, $0x3;
	s19 =	sadd.s32 @!p1 s19, s20;
	s20 =	sshll.u32 @!p1 s21, $0x12  }
0x2e: {  	s18 =	sadd.s32 @!p1 s18, s19;
	s19 =	sor.u32 @!p1 $0x400, s20;
	s20 =	simm.s32 @!p1 $0x40000  }
0x2f: {  	[tilespmem:s17], [sflag:$0x1] =	stream.strided.gather @!p1 [hbm4b:s18+s19], $0x4000, s20, s19, $0x38;
	[tilespmem:$0x10100] =	vst v63  }
0x30: {  	p1 =	sge.u32 s31, s7  }
.Ltmp2:
0x31: {  	_ = 	snop;
	(pc) =	sbr.rel @p1 .LBB1_5-.Ltmp2, $1  }
0x32: {  	_ =	sdelay $0x3  }
0x33: {  	s17 =	simm.s32 $0x1  }
0x34: {  	_ =	swait.ge [sflag:s6], $0x4000;
	s17 =	simm.s32 @!p0 $0x0  }
0x35: {  	[sflag:s6] =	ssyncset.done $0x0;
	s18 =	sshll.u32 s17, $0xE  }
0x36: {  	[sflag:s6] =	ssyncadd.s32 $0xFFFFC000;
	s20 =	sor.u32 $0x40, s18  }
0x37: {  	s17 =	smul.u32 $0x10200, s17;
	v0 =	vld [tilespmem:s20+$0x30]  }
0x38: {  	v3 =	vld [tilespmem:s20+$0xFFFFFFD0]  }
0x39: {  	s17 =	sshrl.u32 s17, $0x2;
	v4 =	vld [tilespmem:s20+$0xFFFFFFE0]  }
0x3a: {  	v5 =	vld [tilespmem:s20+$0xFFFFFFF0];
	s18 =	sor.u32 $0x8000, s17  }
0x3b: {  	s31 =	sand.u32 $0x1, s13;
	v1 =	vld [tilespmem:s20+$0x0];
	s19 =	sadd.s32 $0x0, s18  }
0x3c: {  	v2 =	vld [tilespmem:s20+$0x10];
	s17 =	smul.u32 $0x10200, s31;
	[tilespmem:s19+$0x3870 ss:$0x81] =	vst.msk $0xffff, v0  }
0x3d: {  	[tilespmem:s19+$0x810 ss:$0x81] =	vst.msk $0xffff, v3;
	v3 =	vld [tilespmem:s20+$0x20]  }
0x3e: {  	s17 =	sshrl.u32 s17, $0x2;
	v0 =	vld [tilespmem:s20+$0xFFFFFFC0];
	[tilespmem:s19+$0x1020 ss:$0x81] =	vst.msk $0xffff, v4;
	s20 =	sadd.s32 $0x80, s20  }
0x3f: {  	s21 =	simm.s32 $0x4;
	s22 =	simm.s32 $0x8;
	s17 =	sor.u32 $0x8000, s17;
	[tilespmem:s19+$0x1830 ss:$0x81] =	vst.msk $0xffff, v5;
	v4 =	vld [tilespmem:s20+$0x30]  }
.LBB1_3:
0x40: {  	p1 =	sne.s32 s22, $0x1FC;
	v5 =	vld [tilespmem:s20+$0xFFFFFFD0];
	[tilespmem:s19+$0x2040 ss:$0x81] =	vst.msk $0xffff, v1  }
0x41: {  	v6 =	vld [tilespmem:s20+$0xFFFFFFE0];
	[tilespmem:s19+$0x2850 ss:$0x81] =	vst.msk $0xffff, v2  }
0x42: {  	s23 =	sshra.s32 s21, $0x2;
	s21 =	smov.u32 s22;
	v7 =	vld [tilespmem:s20+$0xFFFFFFF0];
	[tilespmem:s19+$0x3060 ss:$0x81] =	vst.msk $0xffff, v3  }
.Ltmp3:
0x43: {  	v1 =	vld [tilespmem:s20+$0x0];
	[tilespmem:s19+$0x0 ss:$0x81] =	vst.msk $0xffff, v0;
	s19 =	sadd.s32 s23, s18;
	(pc) =	sbr.rel @p1 .LBB1_3-.Ltmp3, $4  }
0x44: {  	v2 =	vld [tilespmem:s20+$0x10];
	[tilespmem:s19+$0x3870 ss:$0x81] =	vst.msk $0xffff, v4  }
0x45: {  	[tilespmem:s19+$0x810 ss:$0x81] =	vst.msk $0xffff, v5;
	v3 =	vld [tilespmem:s20+$0x20]  }
0x46: {  	v0 =	vld [tilespmem:s20+$0xFFFFFFC0];
	[tilespmem:s19+$0x1020 ss:$0x81] =	vst.msk $0xffff, v6;
	s20 =	sadd.s32 $0x80, s20  }
0x47: {  	s22 =	sadd.s32 $0x4, s22;
	v4 =	vld [tilespmem:s20+$0x30];
	[tilespmem:s19+$0x1830 ss:$0x81] =	vst.msk $0xffff, v7  }
.Ltmp4:
0x48: {  	_ = 	snop;
	(pc) =	sbr.rel .LBB1_4-.Ltmp4, $1  }
0x49: {  	_ =	sdelay $0x3  }
.LBB1_6:
0x4a: {  	_ =	sfence.sel $0x180000  }
0x4b: {  	s2 =	simm.s32 $0x1;
	[bflag:$0x0] =	sbarrier.arrive $0xFFFF  }
0x4c: {  	s31 =	simm.s32 $0x2;
	[sflag:s2] =	ssyncpa.u1 $0x1  }
0x4d: {  	[sflag:s31] =	ssyncpa.u1 $0x1  }
0x4e: {  	p0 =	sne.s32 s0, $0x0;
	_ =	strace $0x90000047  }
0x4f: {  	s0 =	sadd.s32 @!p0 $0x100000, s1;
	[bflag:$0x2] =	sbarrier.arrive $0xFFFF  }
0x50: {  	[sflag:s0] =	ssyncadd.tile.s32 @!p0 $0x1;
	_ =	shalt  }
.Lfunc_end1:
_tile_overlayer_lowered:
.L_overlay_start_2:
0x51: {  	(tag) =	ssettag $0x2  }
0x52: {  	s0 =	rddreg [dreg:$0x0];
	s2 =	stileid.u32  }
0x53: {  	s1 =	rddreg [dreg:$0x1];
	p0 =	sne.s32 s2, $0x0  }
0x54: {  	s3 =	rddreg [dreg:$0x2];
	[bflag:$0x3] =	sbarrier.arrive $0xFFFF;
	s2 =	simm.s32 @!p0 $0x1C01  }
0x55: {  	[timem:s3], [sflag:s2] =	dma.local @!p0 [hbm:s0], s1  }
0x56: {  	s0 =	simm.s32 @!p0 $0x1  }
0x57: {  	_ =	swait.ge @!p0 [sflag:s0], s1  }
0x58: {  	s1 =	ssub.s32 @!p0 $0x0, s1;
	[sflag:s0] =	ssyncset.done @!p0 $0x0  }
0x59: {  	[sflag:s0] =	ssyncadd.s32 @!p0 s1  }
0x5a: {  	[bflag:$0x3] =	sbarrier.arrive $0xFFFF  }
0x5b: {  	_ =	shalt  }

</sc_bundles>
